<compile_context>
chip_gen: v7x
topology: tpu7x:2x2x1
jax: 0.10.2.dev20260603
libtpu: 0.0.44.dev20260713+nightly
codegen_flags: <defaults>
</compile_context>

<pallas_src>
import functools

import numpy as np
import jax
import jax.numpy as jnp
from jax import lax
from jax.experimental import pallas as pl
from jax.experimental.pallas import tpu as pltpu
from jax.experimental.pallas import tpu_sc as plsc

_ROWS = 16384
_COLS = 16
_NQ = 4
_NOUT = _NQ // 2

_NC = 1
_NS = 16
_NW = _NC * _NS
_RPW = _ROWS // _NW
_BLKS = _RPW // 16


def _sign_table():
    basis = np.arange(2 ** _NQ)
    signs = np.zeros((_NOUT, _COLS), dtype=np.float64)
    for i in range(_NOUT):
        ind = i * 2
        hi_bit = (basis >> (_NQ - 1 - ind)) & 1
        lo_bit = (basis >> (_NQ - 2 - ind)) & 1
        signs[i] = np.where(hi_bit == lo_bit, 1.0, -1.0)
    return signs


_SIGNS = _sign_table()


def _signed_tree_sum(cols, signs):
    terms = list(cols)
    sgn = list(signs)
    while len(terms) > 1:
        nxt_t, nxt_s = [], []
        for k in range(0, len(terms), 2):
            a, sa = terms[k], sgn[k]
            b, sb = terms[k + 1], sgn[k + 1]
            if sa == sb:
                nxt_t.append(a + b)
                nxt_s.append(sa)
            else:
                nxt_t.append(a - b if sa > 0 else b - a)
                nxt_s.append(1.0)
        terms, sgn = nxt_t, nxt_s
    return terms[0] if sgn[0] > 0 else -terms[0]


@functools.cache
def _build_decode_sc():
    mesh = plsc.VectorSubcoreMesh(
        core_axis_name="c", subcore_axis_name="s", num_cores=_NC
    )

    @functools.partial(
        pl.kernel,
        out_type=jax.ShapeDtypeStruct((_NOUT, _ROWS), jnp.float32),
        mesh=mesh,
        scratch_types=[
            pltpu.VMEM((_COLS, _RPW), jnp.float32),
            pltpu.VMEM((_RPW,), jnp.float32),
            pltpu.VMEM((_RPW,), jnp.float32),
        ],
        compiler_params=pltpu.CompilerParams(
            needs_layout_passes=False,
            disable_bounds_checks=True,
            disable_semaphore_checks=True,
            skip_device_barrier=True,
        ),
    )
    def _decode_sc(xt_hbm, out_hbm, x_v, o0_v, o1_v):
        wid = lax.axis_index("s") * _NC + lax.axis_index("c")
        base = wid * _RPW
        pltpu.sync_copy(xt_hbm.at[:, pl.ds(base, _RPW)], x_v)

        @plsc.parallel_loop(0, _RPW, 16, unroll=2)
        def block(rr):
            cols = [x_v[j, pl.ds(rr, 16)] for j in range(_COLS)]
            o0_v[pl.ds(rr, 16)] = _signed_tree_sum(cols, _SIGNS[0])
            o1_v[pl.ds(rr, 16)] = _signed_tree_sum(cols, _SIGNS[1])

        pltpu.sync_copy(o0_v, out_hbm.at[0, pl.ds(base, _RPW)])
        pltpu.sync_copy(o1_v, out_hbm.at[1, pl.ds(base, _RPW)])

    return _decode_sc


def kernel(input):
    out_t = _build_decode_sc()(input.T)
    return out_t.T

# --- scband reference (transcript-rebuilt; emitter-appended) ---
"""Pipeline reference for scband-decode-layer-25890062860527 (READ-ONLY COPY).

The authoritative reference and input builder live on the scoring server;
editing this copy changes nothing except your own understanding.
"""

import jax, jax.numpy as jnp
import numpy as np

NUM_QUBITS = 4

def _build_indices():
    n = NUM_QUBITS
    basis = np.arange(2 ** n)
    mask = 2 ** np.arange(n - 1, -1, -1)
    states = ((basis[:, None] & mask) != 0).astype(np.float32)
    high, low = [], []
    for i in range(n // 2):
        ind = i * 2
        hi = [j for j, s in enumerate(states)
              if (s[ind] == 1 and s[ind + 1] == 1) or (s[ind] == 0 and s[ind + 1] == 0)]
        lo = sorted(set(range(n ** 2)) - set(hi))
        high.append(hi)
        low.append(lo)
    return np.asarray(high, dtype=np.int32), np.asarray(low, dtype=np.int32)

HIGH_IDX, LOW_IDX = _build_indices()

def setup_inputs(seed: int = 0):
    key = jax.random.key(seed)
    x = jax.random.normal(key, (16384, 16), dtype=jnp.float32)
    return {"input": x}

def reference(input):
    x = input
    evs = []
    for i in range(NUM_QUBITS // 2):
        hi = jnp.take(x, jnp.asarray(HIGH_IDX[i]), axis=1)
        lo = jnp.take(x, jnp.asarray(LOW_IDX[i]), axis=1)
        evs.append(jnp.sum(hi, axis=1) - jnp.sum(lo, axis=1))
    ev = jnp.stack(evs, axis=0)
    return jnp.transpose(ev, (1, 0))

if __name__ == "__main__":
    import jax
    _d = setup_inputs()
    print(jax.jit(kernel)(*tuple(_d.values())))

</pallas_src>

<mosaic_0001>
#map = affine_map<(d0, d1) -> (0, 0)>
module attributes {stable_mosaic.version = 14 : i64} {
  func.func @_decode_sc(%arg0: i32, %arg1: i32, %arg2: memref<16x16384xf32, #tpu.memory_space<hbm>>, %arg3: memref<2x16384xf32, #tpu.memory_space<hbm>>, %arg4: memref<16x1024xf32, #tpu.memory_space<vmem>>, %arg5: memref<1024xf32, #tpu.memory_space<vmem>>, %arg6: memref<1024xf32, #tpu.memory_space<vmem>>) attributes {dimension_semantics = [#tpu.dimension_semantics<core_parallel>, #tpu.dimension_semantics<subcore_parallel>], iteration_bounds = array<i64: 1, 16>, scalar_prefetch = 0 : i64, scratch_operands = 3 : i64, tpu.core_type = #tpu.core_type<sc_vector_subcore>, window_params = [{transform_indices = #map}, {transform_indices = #map}]} {
    %mul3A = arith.constant 1 : i32
    %mul3A_0 = arith.muli %arg1, %mul3A : i32
    %add3A = arith.addi %mul3A_0, %arg0 : i32
    %mul3A_1 = arith.constant 1024 : i32
    %mul3A_2 = arith.muli %add3A, %mul3A_1 : i32
    "tpu.region"() ({
      %run_scoped3A_6 = tpu.sem_alloc : memref<!tpu.dma_semaphore, #tpu.memory_space<semaphore_mem>>
      %dma_start3A = arith.constant 0 : i32
      %dma_start3A_7 = tpu.memref_slice %arg2[%dma_start3A, %mul3A_2] : memref<16x16384xf32, #tpu.memory_space<hbm>> -> memref<16x1024xf32, #tpu.memory_space<hbm>>
      %dma_start3A_8 = arith.constant 0 : i32
      %dma_start3A_9 = tpu.memref_slice %arg2[%dma_start3A_8, %mul3A_2] : memref<16x16384xf32, #tpu.memory_space<hbm>> -> memref<16x1024xf32, #tpu.memory_space<hbm>>
      tpu.enqueue_dma source(%dma_start3A_9 : memref<16x1024xf32, #tpu.memory_space<hbm>>) target(%arg4 : memref<16x1024xf32, #tpu.memory_space<vmem>>) target_semaphore(%run_scoped3A_6 : memref<!tpu.dma_semaphore, #tpu.memory_space<semaphore_mem>>)
      %dma_wait3A = arith.constant 0 : i32
      %dma_wait3A_10 = tpu.memref_slice %arg2[%dma_wait3A, %mul3A_2] : memref<16x16384xf32, #tpu.memory_space<hbm>> -> memref<16x1024xf32, #tpu.memory_space<hbm>>
      %dma_wait3A_11 = arith.constant 0 : i32
      %dma_wait3A_12 = tpu.memref_slice %arg2[%dma_wait3A_11, %mul3A_2] : memref<16x16384xf32, #tpu.memory_space<hbm>> -> memref<16x1024xf32, #tpu.memory_space<hbm>>
      tpu.wait_dma2 semaphore(%run_scoped3A_6 : memref<!tpu.dma_semaphore, #tpu.memory_space<semaphore_mem>>) src(%dma_wait3A_12 : memref<16x1024xf32, #tpu.memory_space<hbm>>) dst(%arg4 : memref<16x1024xf32, #tpu.memory_space<vmem>>)
      tpu.yield
    }) : () -> ()
    %parallel_loop3A = arith.constant 0 : i32
    %parallel_loop3A_3 = arith.constant 1024 : i32
    %parallel_loop3A_4 = arith.constant 16 : i32
    scf.for %parallel_loop3A_6 = %parallel_loop3A to %parallel_loop3A_3 step %parallel_loop3A_4  : i32 {
      %parallel_loop3A_7 = arith.constant 0 : i32
      %parallel_loop3A_8 = arith.index_cast %parallel_loop3A_7 : i32 to index
      %parallel_loop3A_9 = arith.index_cast %parallel_loop3A_6 : i32 to index
      %parallel_loop3A_10 = tpu.vector_load %arg4[%parallel_loop3A_8, %parallel_loop3A_9] {strides = array<i32>} : memref<16x1024xf32, #tpu.memory_space<vmem>>, vector<16xf32>,
      %parallel_loop3A_11 = arith.constant 1 : i32
      %parallel_loop3A_12 = arith.index_cast %parallel_loop3A_11 : i32 to index
      %parallel_loop3A_13 = arith.index_cast %parallel_loop3A_6 : i32 to index
      %parallel_loop3A_14 = tpu.vector_load %arg4[%parallel_loop3A_12, %parallel_loop3A_13] {strides = array<i32>} : memref<16x1024xf32, #tpu.memory_space<vmem>>, vector<16xf32>,
      %parallel_loop3A_15 = arith.constant 2 : i32
      %parallel_loop3A_16 = arith.index_cast %parallel_loop3A_15 : i32 to index
      %parallel_loop3A_17 = arith.index_cast %parallel_loop3A_6 : i32 to index
      %parallel_loop3A_18 = tpu.vector_load %arg4[%parallel_loop3A_16, %parallel_loop3A_17] {strides = array<i32>} : memref<16x1024xf32, #tpu.memory_space<vmem>>, vector<16xf32>,
      %parallel_loop3A_19 = arith.constant 3 : i32
      %parallel_loop3A_20 = arith.index_cast %parallel_loop3A_19 : i32 to index
      %parallel_loop3A_21 = arith.index_cast %parallel_loop3A_6 : i32 to index
      %parallel_loop3A_22 = tpu.vector_load %arg4[%parallel_loop3A_20, %parallel_loop3A_21] {strides = array<i32>} : memref<16x1024xf32, #tpu.memory_space<vmem>>, vector<16xf32>,
      %parallel_loop3A_23 = arith.constant 4 : i32
      %parallel_loop3A_24 = arith.index_cast %parallel_loop3A_23 : i32 to index
      %parallel_loop3A_25 = arith.index_cast %parallel_loop3A_6 : i32 to index
      %parallel_loop3A_26 = tpu.vector_load %arg4[%parallel_loop3A_24, %parallel_loop3A_25] {strides = array<i32>} : memref<16x1024xf32, #tpu.memory_space<vmem>>, vector<16xf32>,
      %parallel_loop3A_27 = arith.constant 5 : i32
      %parallel_loop3A_28 = arith.index_cast %parallel_loop3A_27 : i32 to index
      %parallel_loop3A_29 = arith.index_cast %parallel_loop3A_6 : i32 to index
      %parallel_loop3A_30 = tpu.vector_load %arg4[%parallel_loop3A_28, %parallel_loop3A_29] {strides = array<i32>} : memref<16x1024xf32, #tpu.memory_space<vmem>>, vector<16xf32>,
      %parallel_loop3A_31 = arith.constant 6 : i32
      %parallel_loop3A_32 = arith.index_cast %parallel_loop3A_31 : i32 to index
      %parallel_loop3A_33 = arith.index_cast %parallel_loop3A_6 : i32 to index
      %parallel_loop3A_34 = tpu.vector_load %arg4[%parallel_loop3A_32, %parallel_loop3A_33] {strides = array<i32>} : memref<16x1024xf32, #tpu.memory_space<vmem>>, vector<16xf32>,
      %parallel_loop3A_35 = arith.constant 7 : i32
      %parallel_loop3A_36 = arith.index_cast %parallel_loop3A_35 : i32 to index
      %parallel_loop3A_37 = arith.index_cast %parallel_loop3A_6 : i32 to index
      %parallel_loop3A_38 = tpu.vector_load %arg4[%parallel_loop3A_36, %parallel_loop3A_37] {strides = array<i32>} : memref<16x1024xf32, #tpu.memory_space<vmem>>, vector<16xf32>,
      %parallel_loop3A_39 = arith.constant 8 : i32
      %parallel_loop3A_40 = arith.index_cast %parallel_loop3A_39 : i32 to index
      %parallel_loop3A_41 = arith.index_cast %parallel_loop3A_6 : i32 to index
      %parallel_loop3A_42 = tpu.vector_load %arg4[%parallel_loop3A_40, %parallel_loop3A_41] {strides = array<i32>} : memref<16x1024xf32, #tpu.memory_space<vmem>>, vector<16xf32>,
      %parallel_loop3A_43 = arith.constant 9 : i32
      %parallel_loop3A_44 = arith.index_cast %parallel_loop3A_43 : i32 to index
      %parallel_loop3A_45 = arith.index_cast %parallel_loop3A_6 : i32 to index
      %parallel_loop3A_46 = tpu.vector_load %arg4[%parallel_loop3A_44, %parallel_loop3A_45] {strides = array<i32>} : memref<16x1024xf32, #tpu.memory_space<vmem>>, vector<16xf32>,
      %parallel_loop3A_47 = arith.constant 10 : i32
      %parallel_loop3A_48 = arith.index_cast %parallel_loop3A_47 : i32 to index
      %parallel_loop3A_49 = arith.index_cast %parallel_loop3A_6 : i32 to index
      %parallel_loop3A_50 = tpu.vector_load %arg4[%parallel_loop3A_48, %parallel_loop3A_49] {strides = array<i32>} : memref<16x1024xf32, #tpu.memory_space<vmem>>, vector<16xf32>,
      %parallel_loop3A_51 = arith.constant 11 : i32
      %parallel_loop3A_52 = arith.index_cast %parallel_loop3A_51 : i32 to index
      %parallel_loop3A_53 = arith.index_cast %parallel_loop3A_6 : i32 to index
      %parallel_loop3A_54 = tpu.vector_load %arg4[%parallel_loop3A_52, %parallel_loop3A_53] {strides = array<i32>} : memref<16x1024xf32, #tpu.memory_space<vmem>>, vector<16xf32>,
      %parallel_loop3A_55 = arith.constant 12 : i32
      %parallel_loop3A_56 = arith.index_cast %parallel_loop3A_55 : i32 to index
      %parallel_loop3A_57 = arith.index_cast %parallel_loop3A_6 : i32 to index
      %parallel_loop3A_58 = tpu.vector_load %arg4[%parallel_loop3A_56, %parallel_loop3A_57] {strides = array<i32>} : memref<16x1024xf32, #tpu.memory_space<vmem>>, vector<16xf32>,
      %parallel_loop3A_59 = arith.constant 13 : i32
      %parallel_loop3A_60 = arith.index_cast %parallel_loop3A_59 : i32 to index
      %parallel_loop3A_61 = arith.index_cast %parallel_loop3A_6 : i32 to index
      %parallel_loop3A_62 = tpu.vector_load %arg4[%parallel_loop3A_60, %parallel_loop3A_61] {strides = array<i32>} : memref<16x1024xf32, #tpu.memory_space<vmem>>, vector<16xf32>,
      %parallel_loop3A_63 = arith.constant 14 : i32
      %parallel_loop3A_64 = arith.index_cast %parallel_loop3A_63 : i32 to index
      %parallel_loop3A_65 = arith.index_cast %parallel_loop3A_6 : i32 to index
      %parallel_loop3A_66 = tpu.vector_load %arg4[%parallel_loop3A_64, %parallel_loop3A_65] {strides = array<i32>} : memref<16x1024xf32, #tpu.memory_space<vmem>>, vector<16xf32>,
      %parallel_loop3A_67 = arith.constant 15 : i32
      %parallel_loop3A_68 = arith.index_cast %parallel_loop3A_67 : i32 to index
      %parallel_loop3A_69 = arith.index_cast %parallel_loop3A_6 : i32 to index
      %parallel_loop3A_70 = tpu.vector_load %arg4[%parallel_loop3A_68, %parallel_loop3A_69] {strides = array<i32>} : memref<16x1024xf32, #tpu.memory_space<vmem>>, vector<16xf32>,
      %parallel_loop3A_71 = arith.addf %parallel_loop3A_10, %parallel_loop3A_14 : vector<16xf32>
      %parallel_loop3A_72 = arith.addf %parallel_loop3A_18, %parallel_loop3A_22 : vector<16xf32>
      %parallel_loop3A_73 = arith.addf %parallel_loop3A_26, %parallel_loop3A_30 : vector<16xf32>
      %parallel_loop3A_74 = arith.addf %parallel_loop3A_34, %parallel_loop3A_38 : vector<16xf32>
      %parallel_loop3A_75 = arith.addf %parallel_loop3A_42, %parallel_loop3A_46 : vector<16xf32>
      %parallel_loop3A_76 = arith.addf %parallel_loop3A_50, %parallel_loop3A_54 : vector<16xf32>
      %parallel_loop3A_77 = arith.addf %parallel_loop3A_58, %parallel_loop3A_62 : vector<16xf32>
      %parallel_loop3A_78 = arith.addf %parallel_loop3A_66, %parallel_loop3A_70 : vector<16xf32>
      %parallel_loop3A_79 = arith.addf %parallel_loop3A_71, %parallel_loop3A_72 : vector<16xf32>
      %parallel_loop3A_80 = arith.addf %parallel_loop3A_73, %parallel_loop3A_74 : vector<16xf32>
      %parallel_loop3A_81 = arith.addf %parallel_loop3A_75, %parallel_loop3A_76 : vector<16xf32>
      %parallel_loop3A_82 = arith.addf %parallel_loop3A_77, %parallel_loop3A_78 : vector<16xf32>
      %parallel_loop3A_83 = arith.subf %parallel_loop3A_79, %parallel_loop3A_80 : vector<16xf32>
      %parallel_loop3A_84 = arith.subf %parallel_loop3A_82, %parallel_loop3A_81 : vector<16xf32>
      %parallel_loop3A_85 = arith.addf %parallel_loop3A_83, %parallel_loop3A_84 : vector<16xf32>
      %parallel_loop3A_86 = arith.index_cast %parallel_loop3A_6 : i32 to index
      %parallel_loop3A_87 = tpu.vector_load %arg5[%parallel_loop3A_86] {strides = array<i32>} : memref<1024xf32, #tpu.memory_space<vmem>>, vector<16xf32>,
      tpu.vector_store %arg5[%parallel_loop3A_86], %parallel_loop3A_85 {strides = array<i32>} : memref<1024xf32, #tpu.memory_space<vmem>>, vector<16xf32>,
      %parallel_loop3A_88 = arith.subf %parallel_loop3A_10, %parallel_loop3A_14 : vector<16xf32>
      %parallel_loop3A_89 = arith.subf %parallel_loop3A_22, %parallel_loop3A_18 : vector<16xf32>
      %parallel_loop3A_90 = arith.subf %parallel_loop3A_26, %parallel_loop3A_30 : vector<16xf32>
      %parallel_loop3A_91 = arith.subf %parallel_loop3A_38, %parallel_loop3A_34 : vector<16xf32>
      %parallel_loop3A_92 = arith.subf %parallel_loop3A_42, %parallel_loop3A_46 : vector<16xf32>
      %parallel_loop3A_93 = arith.subf %parallel_loop3A_54, %parallel_loop3A_50 : vector<16xf32>
      %parallel_loop3A_94 = arith.subf %parallel_loop3A_58, %parallel_loop3A_62 : vector<16xf32>
      %parallel_loop3A_95 = arith.subf %parallel_loop3A_70, %parallel_loop3A_66 : vector<16xf32>
      %parallel_loop3A_96 = arith.addf %parallel_loop3A_88, %parallel_loop3A_89 : vector<16xf32>
      %parallel_loop3A_97 = arith.addf %parallel_loop3A_90, %parallel_loop3A_91 : vector<16xf32>
      %parallel_loop3A_98 = arith.addf %parallel_loop3A_92, %parallel_loop3A_93 : vector<16xf32>
      %parallel_loop3A_99 = arith.addf %parallel_loop3A_94, %parallel_loop3A_95 : vector<16xf32>
      %parallel_loop3A_100 = arith.addf %parallel_loop3A_96, %parallel_loop3A_97 : vector<16xf32>
      %parallel_loop3A_101 = arith.addf %parallel_loop3A_98, %parallel_loop3A_99 : vector<16xf32>
      %parallel_loop3A_102 = arith.addf %parallel_loop3A_100, %parallel_loop3A_101 : vector<16xf32>
      %parallel_loop3A_103 = arith.index_cast %parallel_loop3A_6 : i32 to index
      %parallel_loop3A_104 = tpu.vector_load %arg6[%parallel_loop3A_103] {strides = array<i32>} : memref<1024xf32, #tpu.memory_space<vmem>>, vector<16xf32>,
      tpu.vector_store %arg6[%parallel_loop3A_103], %parallel_loop3A_102 {strides = array<i32>} : memref<1024xf32, #tpu.memory_space<vmem>>, vector<16xf32>,
    } {sc.loop_unroll_factor = 2 : i64, sc.parallel_access}
    %run_scoped3A = arith.constant 0 : i32
    "tpu.region"() ({
      %run_scoped3A_6 = tpu.sem_alloc : memref<!tpu.dma_semaphore, #tpu.memory_space<semaphore_mem>>
      %dma_start3A = tpu.memref_slice %arg3[%run_scoped3A, %mul3A_2] : memref<2x16384xf32, #tpu.memory_space<hbm>> -> memref<1x1024xf32, #tpu.memory_space<hbm>>
      %dma_start3A_7 = tpu.memref_squeeze %dma_start3A : memref<1x1024xf32, #tpu.memory_space<hbm>> -> memref<1024xf32, #tpu.memory_space<hbm>>
      %dma_start3A_8 = tpu.memref_slice %arg3[%run_scoped3A, %mul3A_2] : memref<2x16384xf32, #tpu.memory_space<hbm>> -> memref<1x1024xf32, #tpu.memory_space<hbm>>
      %dma_start3A_9 = tpu.memref_squeeze %dma_start3A_8 : memref<1x1024xf32, #tpu.memory_space<hbm>> -> memref<1024xf32, #tpu.memory_space<hbm>>
      tpu.enqueue_dma source(%arg5 : memref<1024xf32, #tpu.memory_space<vmem>>) target(%dma_start3A_9 : memref<1024xf32, #tpu.memory_space<hbm>>) target_semaphore(%run_scoped3A_6 : memref<!tpu.dma_semaphore, #tpu.memory_space<semaphore_mem>>)
      %dma_wait3A = tpu.memref_slice %arg3[%run_scoped3A, %mul3A_2] : memref<2x16384xf32, #tpu.memory_space<hbm>> -> memref<1x1024xf32, #tpu.memory_space<hbm>>
      %dma_wait3A_10 = tpu.memref_squeeze %dma_wait3A : memref<1x1024xf32, #tpu.memory_space<hbm>> -> memref<1024xf32, #tpu.memory_space<hbm>>
      %dma_wait3A_11 = tpu.memref_slice %arg3[%run_scoped3A, %mul3A_2] : memref<2x16384xf32, #tpu.memory_space<hbm>> -> memref<1x1024xf32, #tpu.memory_space<hbm>>
      %dma_wait3A_12 = tpu.memref_squeeze %dma_wait3A_11 : memref<1x1024xf32, #tpu.memory_space<hbm>> -> memref<1024xf32, #tpu.memory_space<hbm>>
      tpu.wait_dma2 semaphore(%run_scoped3A_6 : memref<!tpu.dma_semaphore, #tpu.memory_space<semaphore_mem>>) src(%arg5 : memref<1024xf32, #tpu.memory_space<vmem>>) dst(%dma_wait3A_12 : memref<1024xf32, #tpu.memory_space<hbm>>)
      tpu.yield
    }) : () -> ()
    %run_scoped3A_5 = arith.constant 1 : i32
    "tpu.region"() ({
      %run_scoped3A_6 = tpu.sem_alloc : memref<!tpu.dma_semaphore, #tpu.memory_space<semaphore_mem>>
      %dma_start3A = tpu.memref_slice %arg3[%run_scoped3A_5, %mul3A_2] : memref<2x16384xf32, #tpu.memory_space<hbm>> -> memref<1x1024xf32, #tpu.memory_space<hbm>>
      %dma_start3A_7 = tpu.memref_squeeze %dma_start3A : memref<1x1024xf32, #tpu.memory_space<hbm>> -> memref<1024xf32, #tpu.memory_space<hbm>>
      %dma_start3A_8 = tpu.memref_slice %arg3[%run_scoped3A_5, %mul3A_2] : memref<2x16384xf32, #tpu.memory_space<hbm>> -> memref<1x1024xf32, #tpu.memory_space<hbm>>
      %dma_start3A_9 = tpu.memref_squeeze %dma_start3A_8 : memref<1x1024xf32, #tpu.memory_space<hbm>> -> memref<1024xf32, #tpu.memory_space<hbm>>
      tpu.enqueue_dma source(%arg6 : memref<1024xf32, #tpu.memory_space<vmem>>) target(%dma_start3A_9 : memref<1024xf32, #tpu.memory_space<hbm>>) target_semaphore(%run_scoped3A_6 : memref<!tpu.dma_semaphore, #tpu.memory_space<semaphore_mem>>)
      %dma_wait3A = tpu.memref_slice %arg3[%run_scoped3A_5, %mul3A_2] : memref<2x16384xf32, #tpu.memory_space<hbm>> -> memref<1x1024xf32, #tpu.memory_space<hbm>>
      %dma_wait3A_10 = tpu.memref_squeeze %dma_wait3A : memref<1x1024xf32, #tpu.memory_space<hbm>> -> memref<1024xf32, #tpu.memory_space<hbm>>
      %dma_wait3A_11 = tpu.memref_slice %arg3[%run_scoped3A_5, %mul3A_2] : memref<2x16384xf32, #tpu.memory_space<hbm>> -> memref<1x1024xf32, #tpu.memory_space<hbm>>
      %dma_wait3A_12 = tpu.memref_squeeze %dma_wait3A_11 : memref<1x1024xf32, #tpu.memory_space<hbm>> -> memref<1024xf32, #tpu.memory_space<hbm>>
      tpu.wait_dma2 semaphore(%run_scoped3A_6 : memref<!tpu.dma_semaphore, #tpu.memory_space<semaphore_mem>>) src(%arg6 : memref<1024xf32, #tpu.memory_space<vmem>>) dst(%dma_wait3A_12 : memref<1024xf32, #tpu.memory_space<hbm>>)
      tpu.yield
    }) : () -> ()
    return
  }
}

</mosaic_0001>

<sc_bundles>
// kernel: kernel.3.cloned.1.call-start
scs
__scs_entry_jumppad:
0x0: {  	(pc) =	sbr.rel $0x88, $3  }
0x1: {  	(tag) =	ssettag $0x0;
	lr =	simm.s32 $0x1  }
0x2: {  	[smem:$0x3FA0] =	sst lr;
	_ =	strace $0xD0000000  }
0x3: {  	_ = 	snop  }
0x4: {  	_ = 	snop  }
0x5: {  	_ = 	snop  }
0x6: {  	_ = 	snop  }
0x7: {  	_ = 	snop  }
__scs_overlays_trampoline_lowered:
0x8: {  	[smem:$0x3FAF] =	sst s0  }
0x9: {  	[smem:$0x3FB0] =	sst s1  }
0xa: {  	[smem:$0x3FB1] =	sst s2  }
0xb: {  	[smem:$0x3FB2] =	sst s3  }
0xc: {  	[smem:$0x3FB3] =	sst s4  }
0xd: {  	[smem:$0x3FB4] =	sst s5  }
0xe: {  	[smem:$0x3FB5] =	sst s6  }
0xf: {  	[smem:$0x3FB6] =	sst s7  }
0x10: {  	[smem:$0x3FB7] =	sst s8  }
0x11: {  	[smem:$0x3FB8] =	sst s9;
	s0 =	simm.s32 @!p0 $0x0  }
0x12: {  	s1 =	sld [smem:$0x3F9E];
	s0 =	simm.s32 @p0 $0x1  }
0x13: {  	[smem:$0x3FB9] =	sst s0;
	s0 =	simm.s32 @!p1 $0x0  }
0x14: {  	s2 =	sld [smem:$0x3F9D];
	s0 =	simm.s32 @p1 $0x1  }
0x15: {  	[smem:$0x3FBA] =	sst s0;
	s0 =	simm.s32 @!p2 $0x0  }
0x16: {  	s3 =	sld [smem:$0x3FDB];
	s0 =	simm.s32 @p2 $0x1  }
0x17: {  	s4 =	simm.s32 $0x1BF5;
	[smem:$0x3FBC] =	sst s0  }
0x18: {  	s0 =	sld [smem:$0x3F9F];
	_ =	swait.ge [sflag:s4], $0x0  }
0x19: {  	s7 =	sld [smem:$0x3FA0]  }
0x1a: {  	s8 =	sadd.s32 $0xFFFFE003, lr  }
0x1b: {  	s9 =	sadd.s32 $0xFFFFFEF7, lr;
	s5 =	simm.s32 $0xFFFFFFFF;
	p2 =	slt.u32 s8, $0xFFFFF086  }
0x1c: {  	p1 =	slt.u32 s9, $0xF7A;
	s5 =	simm.s32 @!p2 $0x0  }
0x1d: {  	s5 =	simm.s32 @p1 $0x1;
	p0 =	seq.s32 s7, s2  }
0x1e: {  	s7 =	smul.u32 @!p0 $0xF7A, s2;
	p2 =	seq.s32 @!p0 s5, $0x0  }
0x1f: {  	s9 =	smul.u32 $0xF7A, s1;
	s8 =	simm.s32 @!p0 $0x1BF5;
	p2 =	por !p2, p0  }
0x20: {  	[sflag:s8] =	ssyncset.s32 @!p0 $0xFFFFF086;
	s6 =	sadd.s32 @!p0 s3, s7;
	s7 =	simm.s32 @!p0 $0x108  }
0x21: {  	s3 =	sadd.s32 s3, s9;
	s6 =	sadd.s32 @!p0 $0x88, s6;
	s7 =	simm.s32 @p2 $0x1082  }
0x22: {  	[simem:s7], [sflag:s8] =	dma.local @!p0 [hbm:s6], $0xF7A  }
0x23: {  	s9 =	sor.u32 $0xD0000000, s2;
	s6 =	simm.s32 $0x108;
	_ =	swait.ge @!p0 [sflag:s8], $0x0  }
0x24: {  	s3 =	sadd.s32 $0x88, s3;
	s6 =	simm.s32 @!p1 $0x1082;
	[sflag:s4] =	ssyncset.s32 $0xFFFFF086  }
0x25: {  	[simem:s6], [sflag:s4] =	dma.local [hbm:s3], $0xF7A  }
0x26: {  	[smem:$0x3FA0] =	sst s1;
	(tag) =	ssettag s2;
	_ =	strace s9  }
0x27: {  	s1 =	sld [smem:$0x3FB0]  }
0x28: {  	s2 =	sld [smem:$0x3FB1]  }
0x29: {  	s4 =	sld [smem:$0x3FB3]  }
0x2a: {  	p0 =	seq.s32 s5, $0x0;
	s5 =	sld [smem:$0x3FB4]  }
0x2b: {  	s6 =	sld [smem:$0x3FB5]  }
0x2c: {  	s7 =	sld [smem:$0x3FB6]  }
0x2d: {  	s3 =	simm.s32 $0x108;
	s8 =	sld [smem:$0x3FB7]  }
0x2e: {  	s3 =	simm.s32 @!p0 $0x1082;
	s9 =	sld [smem:$0x3FB8]  }
0x2f: {  	lr =	sadd.s32 s0, s3;
	s0 =	sld [smem:$0x3FAF]  }
0x30: {  	s3 =	sld [smem:$0x3FB2]  }
0x31: {  	[smem:$0x3FBB] =	sst s10  }
0x32: {  	s10 =	sld [smem:$0x3FB9];
	_ =	sdelay $0x3  }
0x33: {  	p0 =	seq.s32 s10, $0x1;
	s10 =	sld [smem:$0x3FBB];
	_ =	sdelay $0x3  }
0x34: {  	[smem:$0x3FBB] =	sst s10  }
0x35: {  	s10 =	sld [smem:$0x3FBA];
	_ =	sdelay $0x3  }
0x36: {  	p1 =	seq.s32 s10, $0x1;
	s10 =	sld [smem:$0x3FBB];
	_ =	sdelay $0x3  }
0x37: {  	[smem:$0x3FBB] =	sst s10  }
0x38: {  	s10 =	sld [smem:$0x3FBC]  }
0x39: {  	_ = 	snop;
	(pc) =	sbr.ind lr, $3  }
0x3a: {  	_ = 	snop  }
0x3b: {  	_ = 	snop  }
0x3c: {  	p2 =	seq.s32 s10, $0x1;
	s10 =	sld [smem:$0x3FBB]  }
0x3d: {  	_ =	shalt  }
0x3e: {  	_ =	shalt  }
0x3f: {  	_ =	shalt  }
0x40: {  	_ =	shalt  }
0x41: {  	_ =	shalt  }
0x42: {  	_ =	shalt  }
0x43: {  	_ =	shalt  }
0x44: {  	_ =	shalt  }
0x45: {  	_ =	shalt  }
0x46: {  	_ =	shalt  }
0x47: {  	_ =	shalt  }
0x48: {  	_ =	shalt  }
0x49: {  	_ =	shalt  }
0x4a: {  	_ =	shalt  }
0x4b: {  	_ =	shalt  }
0x4c: {  	_ =	shalt  }
0x4d: {  	_ =	shalt  }
0x4e: {  	_ =	shalt  }
0x4f: {  	_ =	shalt  }
0x50: {  	_ =	shalt  }
0x51: {  	_ =	shalt  }
0x52: {  	_ =	shalt  }
0x53: {  	_ =	shalt  }
0x54: {  	_ =	shalt  }
0x55: {  	_ =	shalt  }
0x56: {  	_ =	shalt  }
0x57: {  	_ =	shalt  }
0x58: {  	_ =	shalt  }
0x59: {  	_ =	shalt  }
0x5a: {  	_ =	shalt  }
0x5b: {  	_ =	shalt  }
0x5c: {  	_ =	shalt  }
0x5d: {  	_ =	shalt  }
0x5e: {  	_ =	shalt  }
0x5f: {  	_ =	shalt  }
0x60: {  	_ =	shalt  }
0x61: {  	_ =	shalt  }
0x62: {  	_ =	shalt  }
0x63: {  	_ =	shalt  }
0x64: {  	_ =	shalt  }
0x65: {  	_ =	shalt  }
0x66: {  	_ =	shalt  }
0x67: {  	_ =	shalt  }
0x68: {  	_ =	shalt  }
0x69: {  	_ =	shalt  }
0x6a: {  	_ =	shalt  }
0x6b: {  	_ =	shalt  }
0x6c: {  	_ =	shalt  }
0x6d: {  	_ =	shalt  }
0x6e: {  	_ =	shalt  }
0x6f: {  	_ =	shalt  }
0x70: {  	_ =	shalt  }
0x71: {  	_ =	shalt  }
0x72: {  	_ =	shalt  }
0x73: {  	_ =	shalt  }
0x74: {  	_ =	shalt  }
0x75: {  	_ =	shalt  }
0x76: {  	_ =	shalt  }
0x77: {  	_ =	shalt  }
0x78: {  	_ =	shalt  }
0x79: {  	_ =	shalt  }
0x7a: {  	_ =	shalt  }
0x7b: {  	_ =	shalt  }
0x7c: {  	_ =	shalt  }
0x7d: {  	_ =	shalt  }
0x7e: {  	_ =	shalt  }
0x7f: {  	_ =	shalt  }
0x80: {  	_ =	shalt  }
0x81: {  	_ =	shalt  }
0x82: {  	_ =	shalt  }
0x83: {  	_ =	shalt  }
0x84: {  	_ =	shalt  }
0x85: {  	_ =	shalt  }
0x86: {  	_ =	shalt  }
0x87: {  	_ =	shalt  }
.Lfunc_end0:
.L_simem_size_0:
called_computation_lowered:
.L_overlay_start_0:
0x88: {  	s0 =	sld [smem:$0x3FD9]  }
0x89: {  	s1 =	sld [smem:$0x3FFE];
	_ =	sdelay $0x3  }
0x8a: {  	s0 =	sadd.s32 s1, s0  }
0x8b: {  	[smem:$0x3FC7] =	sst s0  }
0x8c: {  	_ = 	snop  }
0x8d: {  	s0 =	sld [smem:$0x3FC9]  }
0x8e: {  	s17 =	sld [smem:$0x3FD0];
	(tm) =	ssettm $0x1  }
0x8f: {  	s2 =	sld [smem:$0x3FFB];
	_ =	sdelay $0x3  }
0x90: {  	_ =	strace s2  }
0x91: {  	s2 =	sld [smem:$0x3FFC];
	_ =	sdelay $0x3  }
0x92: {  	_ =	strace s2  }
0x93: {  	s2 =	sld [smem:$0x3FFD];
	_ =	sdelay $0x3  }
0x94: {  	_ =	strace s2  }
0x95: {  	_ =	strace $0x8FFFFFFF  }
0x96: {  	s18 =	sld [smem:$0x3FDB];
	_ =	sdelay $0x1  }
0x97: {  	s3 =	simm.s32 $_scs_section_size  }
0x98: {  	s4 =	simm.s32 $_size__tile_overlayer_lowered;
	s5 =	simm.s32 $_tile_overlayer_lowered  }
0x99: {  	s21 =	simm.s32 $0x1BFF;
	s20 =	sshll.u32 s5, $0x1;
	s2 =	sadd.s32 s3, s18  }
0x9a: {  	s6 =	simm.s32 $0x0;
	s19 =	sshll.u32 s4, $0x1;
	s4 =	sadd.s32 s20, s2  }
0x9b: {  	[timem:s6], [sflag:s21] =	dma.local [hbm:s4], s19  }
0x9c: {  	_ =	swait.ge [sflag:s21], s19  }
0x9d: {  	s3 =	ssub.s32 $0x0, s19;
	[sflag:s21] =	ssyncset.done $0x0  }
0x9e: {  	[sflag:s21] =	ssyncadd.s32 s3;
	_ =	sdelay $0x1  }
0x9f: {  	s22 =	simm.s32 $0x1B8B  }
0xa0: {  	_ =	swait.ge [sflag:s22], $0x1  }
0xa1: {  	[sflag:s22] =	ssyncset.done $0x0  }
0xa2: {  	s23 =	simm.s32 $0x1B8E;
	[sflag:s22] =	ssyncadd.s32 $0xFFFFFFFF  }
0xa3: {  	s24 =	simm.s32 $execute0_lowered;
	[smem:$0x3FD2] =	sst s23  }
0xa4: {  	s3 =	sshll.u32 s24, $0x1;
	_ =	strace $0x80000046;
	[dreg:$0x1] =	wrdreg $0xFFFFFFFF  }
0xa5: {  	s25 =	simm.s32 $_size_execute0_lowered;
	s2 =	sadd.s32 s2, s3;
	[dreg:$0x0] =	wrdreg $0x0  }
0xa6: {  	s3 =	sshll.u32 s25, $0x1;
	[dreg:$0x2] =	wrdreg s2  }
0xa7: {  	[dreg:$0x3] =	wrdreg s3  }
0xa8: {  	[dreg:$0x4] =	wrdreg $0xC0  }
0xa9: {  	_ =	task [dreg:s6], $0x5FFFF  }
0xaa: {  	[dreg:$0x1] =	wrdreg $0xFFFFFFFF  }
0xab: {  	[dreg:$0x0] =	wrdreg $0x60  }
0xac: {  	[dreg:$0x2] =	wrdreg s0  }
0xad: {  	[dreg:$0x3] =	wrdreg s17  }
0xae: {  	[dreg:$0x4] =	wrdreg $0x9  }
0xaf: {  	_ =	task.clear_ibuf [dreg:s6], $0x5FFFF;
	_ =	strace $0x90000046  }
0xb0: {  	s26 =	simm.s32 $0x9;
	_ =	strace $0x80000048  }
0xb1: {  	_ =	swait.ge [sflag:s26], $0x1  }
0xb2: {  	[sflag:s26] =	ssyncadd.s32 $0xFFFFFFFF  }
0xb3: {  	_ =	strace $0x90000048  }
0xb4: {  	_ =	sfence  }
0xb5: {  	s28 =	sld [smem:$0x0];
	_ =	sdelay $0x1  }
0xb6: {  	s29 =	srdreg.scid  }
0xb7: {  	s30 =	sshll.u32 s29, $0xD;
	s31 =	sshrl.u32 s29, $0x2  }
0xb8: {  	s1 =	sand.u32 $0x1, s29;
	s2 =	sand.u32 $0x4000, s30;
	s0 =	sadd.s32 s31, s28  }
0xb9: {  	s1 =	sor.u32 s2, s1;
	s0 =	sshll.u32 s0, $0x11  }
0xba: {  	s0 =	sor.u32 s0, s1  }
0xbb: {  	s0 =	sadd.s32 $0x8F2B, s0  }
0xbc: {  	[sflag:s0] =	ssyncadd.remote.s32 $0x1  }
0xbd: {  	_ =	sfence.sel $0xFFFF  }
0xbe: {  	[dreg:$0x0] =	wrdreg $0xFFFFFFFF;
	(pc) =	sbr.abs _section_cstart, $3  }
0xbf: {  	[dreg:$0x1] =	wrdreg $0xFFFFFFFF  }
0xc0: {  	_ =	task.clear_ibuf [dreg:s6], $0x2FFFF;
	_ =	strace $0x9FFFFFFF  }
0xc1: {  	(tm) =	ssettm $0x7FFFFFFF  }
tec
execute0_lowered:
.L_overlay_start_1:
0x0: {  	(tag) =	ssettag $0x1  }
0x1: {  	s3 =	rddreg [dreg:$0x0]  }
0x2: {  	s2 =	rddreg [dreg:$0x1]  }
0x3: {  	s0 =	rddreg [dreg:$0x2];
	s4 =	simm.s32 $0x0  }
0x4: {  	s1 =	stileid.u32;
	s9 =	simm.s32 $0x2000;
	s6 =	simm.s32 $0x20000  }
0x5: {  	s10 =	simm.s32 $0x1;
	[smem:$0x7FF] =	sst s4;
	s5 =	sshll.u32 s1, $0xA  }
0x6: {  	_ =	strace $0x80000047;
	s3 =	sadd.s32 s3, s5;
	s5 =	simm.s32 $0x0  }
0x7: {  	[tilespmem:s4], [sflag:$0x1] =	stream.strided.gather [hbm4b:s3+s9], $0x4000, s6, s9, $0x38;
	[tilespmem:$0x4800] =	vst v63  }
0x8: {  	s8 =	sand.u32 $0x60, s5;
	_ =	swait.ge [sflag:s10], $0x4000  }
0x9: {  	s4 =	sand.u32 $0x1C00, s4;
	s6 =	sor.u32 $0x10, s8;
	[sflag:s10] =	ssyncset.done $0x0  }
0xa: {  	s11 =	sor.u32 s6, s4;
	[sflag:s10] =	ssyncadd.s32 $0xFFFFC000  }
0xb: {  	v0 =	vld [tilespmem:s11+$0x0]  }
0xc: {  	v1 =	vld [tilespmem:s11+$0x80]  }
0xd: {  	v2 =	vld [tilespmem:s11+$0x100]  }
0xe: {  	v3 =	vld [tilespmem:s11+$0x180]  }
0xf: {  	v4 =	vld [tilespmem:s11+$0x200]  }
0x10: {  	v5 =	vld [tilespmem:s11+$0x280]  }
0x11: {  	s7 =	sor.u32 $0x2000, s4;
	v6 =	vld [tilespmem:s11+$0x300]  }
0x12: {  	s9 =	sor.u32 $0x2080, s4;
	s12 =	sor.u32 s6, s7;
	v7 =	vld [tilespmem:s11+$0x380]  }
0x13: {  	s13 =	sor.u32 s6, s9;
	s10 =	sor.u32 $0x2100, s4;
	v8 =	vld [tilespmem:s12+$0x0]  }
0x14: {  	s11 =	sor.u32 $0x2180, s4;
	v9 =	vld [tilespmem:s13+$0x0];
	s14 =	sor.u32 s6, s10  }
0x15: {  	s12 =	sor.u32 $0x2200, s4;
	v10 =	vld [tilespmem:s14+$0x0];
	s15 =	sor.u32 s6, s11  }
0x16: {  	s13 =	sor.u32 $0x2280, s4;
	s16 =	sor.u32 s6, s12;
	v11 =	vld [tilespmem:s15+$0x0]  }
0x17: {  	s14 =	sor.u32 $0x2300, s4;
	s17 =	sor.u32 s6, s13;
	v12 =	vld [tilespmem:s16+$0x0]  }
0x18: {  	v15 =	vld [tilespmem:s17+$0x0];
	s18 =	sor.u32 s6, s14  }
0x19: {  	s15 =	sor.u32 $0x2380, s4;
	s4 =	sor.u32 s8, s4;
	v18 =	vld [tilespmem:s18+$0x0];
	v13 =	vadd.f32 v1, v0  }
0x1a: {  	s19 =	sor.u32 s6, s15;
	v20 =	vld [tilespmem:s4+$0x80];
	v14 =	vadd.f32 v3, v2;
	v16 =	vadd.f32 v5, v4  }
0x1b: {  	v19 =	vld [tilespmem:s19+$0x0];
	v17 =	vadd.f32 v7, v6;
	v0 =	vsub.f32 v0, v1  }
0x1c: {  	v1 =	vsub.f32 v3, v2;
	v2 =	vld [tilespmem:s4+$0x180];
	v3 =	vsub.f32 v4, v5  }
0x1d: {  	v4 =	vsub.f32 v7, v6;
	v5 =	vld [tilespmem:s4+$0x200];
	v6 =	vsub.f32 v8, v9  }
0x1e: {  	v13 =	vadd.f32 v14, v13;
	v14 =	vadd.f32 v17, v16;
	v16 =	vld [tilespmem:s4+$0x0]  }
0x1f: {  	v17 =	vadd.f32 v9, v8;
	v21 =	vadd.f32 v11, v10;
	v8 =	vld [tilespmem:s4+$0x280]  }
0x20: {  	v7 =	vsub.f32 v11, v10;
	v9 =	vsub.f32 v12, v15;
	v11 =	vld [tilespmem:s4+$0x300]  }
0x21: {  	v0 =	vadd.f32 v1, v0;
	v1 =	vadd.f32 v4, v3;
	v3 =	vld [tilespmem:s4+$0x380]  }
0x22: {  	s3 =	simm.s32 $0x20;
	s20 =	sor.u32 s8, s7;
	v13 =	vsub.f32 v13, v14;
	v14 =	vld [tilespmem:s4+$0x100];
	v10 =	vsub.f32 v19, v18  }
0x23: {  	s21 =	sor.u32 s8, s9;
	s7 =	sand.u32 $0x60, s3;
	v4 =	vadd.f32 v7, v6;
	v7 =	vld [tilespmem:s20+$0x0];
	v0 =	vadd.f32 v1, v0  }
0x24: {  	s22 =	sor.u32 s8, s10;
	s23 =	sor.u32 s8, s11;
	s24 =	sor.u32 s8, s12;
	v6 =	vadd.f32 v10, v9;
	v9 =	vadd.f32 v15, v12;
	v12 =	vld [tilespmem:s21+$0x0]  }
0x25: {  	s25 =	sor.u32 s8, s13;
	s26 =	sor.u32 s8, s14;
	s4 =	simm.s32 $0x100;
	v10 =	vadd.f32 v19, v18;
	v18 =	vld [tilespmem:s23+$0x0];
	v19 =	vadd.f32 v8, v5  }
0x26: {  	s28 =	sor.u32 s8, s15;
	s8 =	sor.u32 $0x10, s7;
	s29 =	sand.u32 $0x1C00, s4;
	v5 =	vsub.f32 v5, v8;
	v8 =	vld [tilespmem:s26+$0x0];
	v1 =	vadd.f32 v6, v4  }
0x27: {  	s31 =	sor.u32 s8, s29;
	s21 =	sor.u32 $0x2200, s29;
	v4 =	vld [tilespmem:s22+$0x0];
	v6 =	vadd.f32 v20, v16;
	v9 =	vadd.f32 v10, v9  }
0x28: {  	s17 =	sor.u32 s8, s21;
	v10 =	vld [tilespmem:s31+$0x80];
	v15 =	vadd.f32 v2, v14;
	v2 =	vsub.f32 v2, v14  }
0x29: {  	v62 =	vld [tilespmem:s17+$0x0];
	v22 =	vadd.f32 v1, v0;
	v1 =	vsub.f32 v16, v20  }
0x2a: {  	v14 =	vld [tilespmem:s25+$0x0];
	v16 =	vadd.f32 v3, v11;
	v3 =	vsub.f32 v3, v11  }
0x2b: {  	v0 =	vld [tilespmem:s24+$0x0];
	v11 =	vadd.f32 v21, v17;
	v20 =	vadd.f32 v12, v7  }
0x2c: {  	v17 =	vld [tilespmem:s28+$0x0];
	v7 =	vsub.f32 v7, v12;
	v6 =	vadd.f32 v15, v6  }
0x2d: {  	v12 =	vld [tilespmem:s31+$0x0];
	v16 =	vadd.f32 v16, v19;
	v1 =	vadd.f32 v2, v1  }
0x2e: {  	v19 =	vld [tilespmem:s31+$0x180];
	v3 =	vadd.f32 v3, v5;
	v15 =	vadd.f32 v18, v4  }
0x2f: {  	v5 =	vld [tilespmem:s31+$0x280];
	v4 =	vsub.f32 v18, v4;
	v6 =	vsub.f32 v6, v16  }
0x30: {  	v18 =	vld [tilespmem:s31+$0x100];
	v1 =	vadd.f32 v3, v1;
	v2 =	vadd.f32 v14, v0  }
0x31: {  	v0 =	vsub.f32 v0, v14;
	v14 =	vld [tilespmem:s31+$0x200];
	v15 =	vadd.f32 v15, v20  }
0x32: {  	s23 =	sor.u32 $0x2300, s29;
	v20 =	vadd.f32 v17, v8;
	v8 =	vsub.f32 v17, v8;
	v17 =	vld [tilespmem:s31+$0x300]  }
0x33: {  	s16 =	sor.u32 $0x2280, s29;
	s25 =	sor.u32 s8, s23;
	v4 =	vadd.f32 v4, v7;
	v7 =	vsub.f32 v9, v11;
	v9 =	vld [tilespmem:s31+$0x380]  }
0x34: {  	s9 =	sor.u32 $0x2000, s29;
	s24 =	sor.u32 s8, s16;
	v25 =	vld [tilespmem:s25+$0x0];
	v11 =	vadd.f32 v10, v12;
	v2 =	vadd.f32 v20, v2  }
0x35: {  	s10 =	sor.u32 $0x2080, s29;
	s30 =	sor.u32 s8, s9;
	v24 =	vld [tilespmem:s24+$0x0];
	v0 =	vadd.f32 v8, v0;
	v13 =	vadd.f32 v7, v13  }
0x36: {  	s19 =	sor.u32 $0x2180, s29;
	s18 =	sor.u32 s8, s10;
	v20 =	vld [tilespmem:s30+$0x0];
	v16 =	vadd.f32 v19, v18;
	v7 =	vsub.f32 v19, v18  }
0x37: {  	s22 =	sor.u32 s8, s19;
	s31 =	sor.u32 $0x2100, s29;
	v8 =	vld [tilespmem:s18+$0x0];
	v2 =	vsub.f32 v2, v15;
	v0 =	vadd.f32 v0, v4  }
0x38: {  	v3 =	vld [tilespmem:s22+$0x0];
	s20 =	sor.u32 s8, s31;
	s18 =	sor.u32 $0x2380, s29;
	v4 =	vadd.f32 v5, v14;
	v23 =	vadd.f32 v9, v17  }
0x39: {  	s26 =	sor.u32 s8, s18;
	v15 =	vld [tilespmem:s20+$0x0];
	v11 =	vadd.f32 v16, v11;
	v9 =	vsub.f32 v9, v17  }
0x3a: {  	s12 =	sor.u32 s7, s29;
	v16 =	vadd.f32 v2, v6;
	v2 =	vadd.f32 v23, v4;
	v4 =	vld [tilespmem:s26+$0x0]  }
0x3b: {  	v26 =	vld [tilespmem:s12+$0x0];
	v63 =	vadd.f32 v0, v1;
	v6 =	vsub.f32 v12, v10  }
0x3c: {  	v19 =	vld [tilespmem:s12+$0x100];
	v10 =	vsub.f32 v14, v5;
	v1 =	vadd.f32 v8, v20  }
0x3d: {  	v17 =	vld [tilespmem:s12+$0x180];
	v8 =	vsub.f32 v20, v8;
	v0 =	vsub.f32 v11, v2  }
0x3e: {  	v27 =	vld [tilespmem:s12+$0x80];
	v2 =	vadd.f32 v3, v15;
	v3 =	vsub.f32 v3, v15  }
0x3f: {  	v5 =	vld [tilespmem:s12+$0x200];
	v11 =	vsub.f32 v62, v24;
	v12 =	vsub.f32 v4, v25  }
0x40: {  	s5 =	sand.u32 $0x380, s5;
	v14 =	vadd.f32 v7, v6;
	v10 =	vadd.f32 v9, v10;
	v7 =	vld [tilespmem:s12+$0x280]  }
0x41: {  	s28 =	sor.u32 s5, s6;
	v6 =	vld [tilespmem:s12+$0x300];
	v15 =	vadd.f32 v3, v8;
	v11 =	vadd.f32 v12, v11  }
0x42: {  	s29 =	sor.u32 s7, s9;
	s9 =	sor.u32 s7, s10;
	[tilespmem:s28+$0x4000] =	vst v13;
	v9 =	vld [tilespmem:s12+$0x380];
	v10 =	vadd.f32 v10, v14;
	v13 =	vadd.f32 v17, v19  }
0x43: {  	s13 =	sor.u32 s7, s23;
	v14 =	vld [tilespmem:s9+$0x0];
	v17 =	vsub.f32 v17, v19;
	v15 =	vadd.f32 v11, v15  }
0x44: {  	s19 =	sor.u32 s7, s19;
	s5 =	simm.s32 $0x4400;
	s6 =	simm.s32 $0x4000;
	[tilespmem:s28+$0x4400] =	vst v22;
	v3 =	vadd.f32 v24, v62;
	v8 =	vld [tilespmem:s29+$0x0];
	v4 =	vadd.f32 v4, v25  }
0x45: {  	s30 =	sor.u32 s7, s31;
	s10 =	sor.u32 s7, s16;
	s31 =	sand.u32 $0x380, s3;
	v18 =	vld [tilespmem:s19+$0x0];
	[tilespmem:s6+$0x0] =	vst v16;
	v11 =	vadd.f32 v27, v26;
	v16 =	vadd.f32 v15, v10  }
0x46: {  	s11 =	sor.u32 s7, s18;
	s8 =	sor.u32 s31, s8;
	s12 =	sor.u32 s7, s21;
	[tilespmem:s5+$0x0] =	vst v63;
	v12 =	vld [tilespmem:s30+$0x0];
	v10 =	vadd.f32 v7, v5;
	v15 =	vsub.f32 v26, v27  }
.LBB2_1:
0x47: {  	s3 =	sadd.s32 $0x20, s3;
	v19 =	vld [tilespmem:s12+$0x0];
	v20 =	vadd.f32 v9, v6;
	v5 =	vsub.f32 v5, v7;
	[tilespmem:s8+$0x4400] =	vst v16  }
0x48: {  	v6 =	vsub.f32 v9, v6;
	v1 =	vadd.f32 v2, v1;
	s4 =	sadd.s32 $0x100, s4;
	s14 =	sand.u32 $0x60, s3;
	p0 =	slt.u32 s3, $0x3E0;
	v7 =	vld [tilespmem:s10+$0x0]  }
0x49: {  	s17 =	sand.u32 $0x1C00, s4;
	s7 =	sor.u32 $0x10, s14;
	v2 =	vld [tilespmem:s13+$0x0];
	v9 =	vadd.f32 v14, v8;
	v8 =	vsub.f32 v8, v14  }
0x4a: {  	v11 =	vadd.f32 v13, v11;
	v3 =	vadd.f32 v4, v3;
	s9 =	sor.u32 s14, s17;
	s10 =	sor.u32 s7, s17;
	v14 =	vld [tilespmem:s11+$0x0]  }
0x4b: {  	v4 =	vld [tilespmem:s10+$0x0];
	v13 =	vadd.f32 v18, v12;
	v12 =	vsub.f32 v18, v12  }
0x4c: {  	v15 =	vadd.f32 v17, v15;
	v10 =	vadd.f32 v20, v10;
	v16 =	vld [tilespmem:s10+$0x80]  }
0x4d: {  	v17 =	vld [tilespmem:s10+$0x100];
	v18 =	vadd.f32 v7, v19;
	v7 =	vsub.f32 v19, v7  }
0x4e: {  	v5 =	vadd.f32 v6, v5;
	v9 =	vadd.f32 v13, v9;
	v19 =	vld [tilespmem:s10+$0x180]  }
0x4f: {  	v6 =	vld [tilespmem:s10+$0x200];
	v13 =	vadd.f32 v14, v2;
	v2 =	vsub.f32 v14, v2  }
0x50: {  	v1 =	vsub.f32 v3, v1;
	v8 =	vadd.f32 v12, v8;
	v14 =	vld [tilespmem:s10+$0x280]  }
0x51: {  	s6 =	sadd.s32 $0x20, s6;
	s11 =	sor.u32 $0x2000, s17;
	v3 =	vld [tilespmem:s10+$0x300];
	v12 =	vadd.f32 v16, v4;
	v13 =	vadd.f32 v13, v18  }
0x52: {  	s12 =	sor.u32 $0x2080, s17;
	s15 =	sor.u32 s14, s11;
	v10 =	vsub.f32 v11, v10;
	v2 =	vadd.f32 v2, v7;
	v18 =	vld [tilespmem:s10+$0x380];
	s10 =	sor.u32 s7, s11  }
0x53: {  	s16 =	sor.u32 s14, s12;
	s11 =	sor.u32 $0x2100, s17;
	v7 =	vld [tilespmem:s10+$0x0];
	s10 =	sor.u32 s7, s12;
	v11 =	vadd.f32 v19, v17;
	v9 =	vsub.f32 v13, v9  }
0x54: {  	v5 =	vadd.f32 v5, v15;
	s18 =	sor.u32 s14, s11;
	s12 =	sor.u32 $0x2180, s17;
	v2 =	vadd.f32 v2, v8;
	v13 =	vld [tilespmem:s10+$0x0];
	s10 =	sor.u32 s7, s11  }
0x55: {  	s19 =	sor.u32 s14, s12;
	s11 =	sor.u32 $0x2200, s17;
	v8 =	vld [tilespmem:s10+$0x0];
	s10 =	sor.u32 s7, s12;
	v15 =	vadd.f32 v14, v6;
	v11 =	vadd.f32 v11, v12  }
0x56: {  	s13 =	sor.u32 $0x2280, s17;
	v0 =	vadd.f32 v1, v0;
	s12 =	sor.u32 s14, s11;
	s11 =	sor.u32 s7, s11;
	v9 =	vadd.f32 v9, v10;
	v12 =	vld [tilespmem:s10+$0x0]  }
0x57: {  	s20 =	sor.u32 $0x2300, s17;
	v2 =	vadd.f32 v2, v5;
	s10 =	sor.u32 s14, s13;
	v10 =	vld [tilespmem:s11+$0x0];
	s11 =	sor.u32 s7, s13;
	v20 =	vadd.f32 v18, v3  }
0x58: {  	s17 =	sor.u32 $0x2380, s17;
	s13 =	sor.u32 s14, s20;
	s20 =	sor.u32 s7, s20;
	v21 =	vld [tilespmem:s11+$0x0];
	[tilespmem:s8+$0x4000] =	vst v0  }
0x59: {  	s5 =	sadd.s32 $0x20, s5;
	s11 =	sor.u32 s14, s17;
	s8 =	sor.u32 s7, s17;
	v22 =	vld [tilespmem:s20+$0x0];
	v1 =	vadd.f32 v13, v7;
	v0 =	vadd.f32 v20, v15;
	[tilespmem:s6+$0x0] =	vst v9  }
0x5a: {  	v15 =	vld [tilespmem:s8+$0x0];
	[tilespmem:s5+$0x0] =	vst v2  }
0x5b: {  	v20 =	vld [tilespmem:s9+$0x0];
	v2 =	vadd.f32 v12, v8;
	v0 =	vsub.f32 v11, v0  }
0x5c: {  	v4 =	vsub.f32 v4, v16;
	v9 =	vsub.f32 v19, v17;
	v23 =	vld [tilespmem:s9+$0x80]  }
0x5d: {  	v6 =	vsub.f32 v6, v14;
	v3 =	vsub.f32 v18, v3;
	v17 =	vld [tilespmem:s9+$0x100]  }
0x5e: {  	v11 =	vsub.f32 v7, v13;
	v8 =	vsub.f32 v12, v8;
	v19 =	vld [tilespmem:s9+$0x180]  }
0x5f: {  	v12 =	vsub.f32 v10, v21;
	v5 =	vld [tilespmem:s9+$0x200];
	v13 =	vsub.f32 v15, v22  }
0x60: {  	v16 =	vadd.f32 v3, v6;
	v14 =	vadd.f32 v9, v4;
	v7 =	vld [tilespmem:s9+$0x280]  }
0x61: {  	v11 =	vadd.f32 v8, v11;
	v6 =	vld [tilespmem:s9+$0x300];
	v12 =	vadd.f32 v13, v12  }
.Ltmp0:
0x62: {  	v3 =	vadd.f32 v21, v10;
	v4 =	vadd.f32 v15, v22;
	v9 =	vld [tilespmem:s9+$0x380];
	(pc) =	sbr.rel @p0 .LBB2_1-.Ltmp0, $4  }
0x63: {  	v15 =	vadd.f32 v16, v14;
	v8 =	vld [tilespmem:s15+$0x0];
	v16 =	vadd.f32 v12, v11  }
0x64: {  	v11 =	vadd.f32 v23, v20;
	v13 =	vadd.f32 v19, v17;
	v14 =	vld [tilespmem:s16+$0x0]  }
0x65: {  	s8 =	sand.u32 $0x380, s3;
	v12 =	vld [tilespmem:s18+$0x0];
	v10 =	vadd.f32 v7, v5;
	v16 =	vadd.f32 v16, v15  }
0x66: {  	s8 =	sor.u32 s8, s7;
	v17 =	vsub.f32 v19, v17;
	v15 =	vsub.f32 v20, v23;
	v18 =	vld [tilespmem:s19+$0x0]  }
0x67: {  	v19 =	vld [tilespmem:s12+$0x0];
	v20 =	vadd.f32 v9, v6  }
0x68: {  	v5 =	vsub.f32 v5, v7;
	v49 =	vld [tilespmem:s10+$0x0];
	v50 =	vsub.f32 v9, v6  }
0x69: {  	v1 =	vadd.f32 v2, v1;
	v51 =	vld [tilespmem:s13+$0x0];
	v11 =	vadd.f32 v13, v11  }
0x6a: {  	v54 =	vld [tilespmem:s11+$0x0];
	v3 =	vadd.f32 v4, v3;
	v57 =	vadd.f32 v17, v15  }
0x6b: {  	v52 =	vadd.f32 v14, v8;
	v53 =	vsub.f32 v8, v14  }
0x6c: {  	v10 =	vadd.f32 v20, v10;
	v5 =	vadd.f32 v50, v5  }
0x6d: {  	v1 =	vsub.f32 v3, v1;
	v55 =	vadd.f32 v18, v12  }
0x6e: {  	v56 =	vsub.f32 v18, v12;
	v61 =	vsub.f32 v11, v10  }
0x6f: {  	v58 =	vadd.f32 v49, v19;
	v59 =	vadd.f32 v54, v51  }
0x70: {  	v7 =	vsub.f32 v19, v49;
	v2 =	vsub.f32 v54, v51  }
0x71: {  	v4 =	vadd.f32 v55, v52;
	v60 =	vadd.f32 v59, v58  }
0x72: {  	v8 =	vadd.f32 v56, v53;
	v2 =	vadd.f32 v2, v7  }
0x73: {  	v62 =	vadd.f32 v5, v57;
	v3 =	vsub.f32 v60, v4  }
0x74: {  	v0 =	vadd.f32 v1, v0;
	v2 =	vadd.f32 v2, v8  }
0x75: {  	[tilespmem:s8+$0x4400] =	vst v16;
	v63 =	vadd.f32 v3, v61  }
0x76: {  	s3 =	sadd.s32 $0x20, s6;
	s4 =	sshll.u32 s1, $0x8;
	[tilespmem:s8+$0x4000] =	vst v0;
	v2 =	vadd.f32 v2, v62  }
0x77: {  	s25 =	sadd.s32 $0x20, s5;
	s26 =	simm.s32 $0x80;
	s28 =	simm.s32 $0x100;
	[tilespmem:s3+$0x0] =	vst v63  }
0x78: {  	s29 =	simm.s32 $0x4000;
	s30 =	simm.s32 $0x1;
	s2 =	sadd.s32 s2, s4;
	[tilespmem:s25+$0x0] =	vst v2  }
0x79: {  	[hbm4b:s2+s26] =	stream.strided.scatter [tilespmem:s29], [sflag:$0x1], $0x400, s28, s26, $0x38;
	[tilespmem:$0x4800] =	vst v63  }
0x7a: {  	_ =	swait.ge [sflag:s30], $0x400  }
0x7b: {  	[sflag:s30] =	ssyncset.done $0x0  }
0x7c: {  	s31 =	simm.s32 $0x4400;
	s2 =	sadd.s32 $0x10, s2;
	[sflag:s30] =	ssyncadd.s32 $0xFFFFFC00  }
0x7d: {  	[hbm4b:s2+s26] =	stream.strided.scatter [tilespmem:s31], [sflag:$0x1], $0x400, s28, s26, $0x38;
	[tilespmem:$0x4800] =	vst v63  }
0x7e: {  	_ =	swait.ge [sflag:s30], $0x400  }
0x7f: {  	[sflag:s30] =	ssyncset.done $0x0  }
0x80: {  	[sflag:s30] =	ssyncadd.s32 $0xFFFFFC00  }
0x81: {  	_ =	sfence.sel $0x180000  }
0x82: {  	[bflag:$0x0] =	sbarrier.arrive $0xFFFF  }
0x83: {  	p0 =	sne.s32 s1, $0x0;
	_ =	strace $0x90000047  }
0x84: {  	s0 =	sadd.s32 @!p0 $0x100000, s0;
	[bflag:$0x2] =	sbarrier.arrive $0xFFFF  }
0x85: {  	[sflag:s0] =	ssyncadd.tile.s32 @!p0 $0x1;
	_ =	shalt  }
.Lfunc_end2:
_tile_overlayer_lowered:
.L_overlay_start_2:
0x86: {  	(tag) =	ssettag $0x2  }
0x87: {  	s0 =	rddreg [dreg:$0x0];
	s2 =	stileid.u32  }
0x88: {  	s1 =	rddreg [dreg:$0x1];
	p0 =	sne.s32 s2, $0x0  }
0x89: {  	s3 =	rddreg [dreg:$0x2];
	[bflag:$0x3] =	sbarrier.arrive $0xFFFF;
	s2 =	simm.s32 @!p0 $0x1C01  }
0x8a: {  	[timem:s3], [sflag:s2] =	dma.local @!p0 [hbm:s0], s1  }
0x8b: {  	s0 =	simm.s32 @!p0 $0x1  }
0x8c: {  	_ =	swait.ge @!p0 [sflag:s0], s1  }
0x8d: {  	s1 =	ssub.s32 @!p0 $0x0, s1;
	[sflag:s0] =	ssyncset.done @!p0 $0x0  }
0x8e: {  	[sflag:s0] =	ssyncadd.s32 @!p0 s1  }
0x8f: {  	[bflag:$0x3] =	sbarrier.arrive $0xFFFF  }
0x90: {  	_ =	shalt  }

</sc_bundles>
